<compile_context>
chip_gen: v7x
topology: tpu7x:2x2x1
jax: 0.10.2.dev20260603
libtpu: 0.0.44.dev20260713+nightly
codegen_flags: <defaults>
</compile_context>

<pallas_src>
import functools

import jax
import jax.numpy as jnp
from jax import lax
from jax.experimental import pallas as pl
from jax.experimental.pallas import tpu as pltpu
from jax.experimental.pallas import tpu_sc as plsc

N_TOK = 8192
C_IN = 192
D = 64
K = 8192
TMT = 1024
KB = 1024


def _tc_body(z_ref, w_ref, b_ref, e_ref, idx_ref, loss_ref, en_ref):
    i = pl.program_id(0)

    @pl.when(i == 0)
    def _():
        e = e_ref[...]
        en_ref[...] = jnp.sum(e * e, axis=1, keepdims=True)

    zc = z_ref[0]
    ze = jnp.dot(w_ref[...], zc,
                 preferred_element_type=jnp.float32) + b_ref[...]
    fnorm = jnp.sum(ze * ze, axis=0, keepdims=True)
    zem2 = ze * (-2.0)

    best = jnp.full((1, TMT), jnp.inf, jnp.float32)
    bidxf = jnp.zeros((1, TMT), jnp.float32)
    iot = lax.broadcasted_iota(jnp.int32, (KB, TMT), 0).astype(jnp.float32)
    for j in range(K // KB):
        ec = e_ref[pl.ds(j * KB, KB), :]
        s2 = lax.dot_general(ec, zem2, (((1,), (0,)), ((), ())),
                             preferred_element_type=jnp.float32)
        en = en_ref[pl.ds(j * KB, KB), :]
        dch = (fnorm + s2) + en
        lmin = jnp.min(dch, axis=0, keepdims=True)
        lidx = jnp.min(jnp.where(dch == lmin, iot, float(K)),
                       axis=0, keepdims=True) + float(j * KB)
        take = lmin < best
        best = jnp.where(take, lmin, best)
        bidxf = jnp.where(take, lidx, bidxf)

    idx_ref[...] = bidxf.astype(jnp.int32).reshape(TMT)
    prev = jnp.where(i == 0, 0.0, loss_ref[...])
    loss_ref[...] = prev + jnp.sum(best).reshape(1, 1)


def _distance_argmin(z3, w, b2, embed):
    n = z3.shape[0] * TMT
    return pl.pallas_call(
        _tc_body,
        grid=(n // TMT,),
        in_specs=[
            pl.BlockSpec((1, C_IN, TMT), lambda i: (i, 0, 0)),
            pl.BlockSpec((D, C_IN), lambda i: (0, 0)),
            pl.BlockSpec((D, 1), lambda i: (0, 0)),
            pl.BlockSpec((K, D), lambda i: (0, 0)),
        ],
        out_specs=[
            pl.BlockSpec((TMT,), lambda i: (i,)),
            pl.BlockSpec((1, 1), lambda i: (0, 0)),
        ],
        out_shape=[
            jax.ShapeDtypeStruct((n,), jnp.int32),
            jax.ShapeDtypeStruct((1, 1), jnp.float32),
        ],
        scratch_shapes=[pltpu.VMEM((K, 1), jnp.float32)],
    )(z3, w, b2, embed)


@functools.cache
def _make_gather(n_tok):
    info = plsc.get_sparse_core_info()
    nw = info.num_cores * info.num_subcores
    ch = 128
    rounds = n_tok // (nw * ch)
    mesh = plsc.VectorSubcoreMesh(core_axis_name="c", subcore_axis_name="s")

    @functools.partial(
        pl.kernel, mesh=mesh,
        compiler_params=pltpu.CompilerParams(use_tc_tiling_on_sc=False),
        out_type=jax.ShapeDtypeStruct((n_tok, D), jnp.float32),
        scratch_types=[
            pltpu.VMEM((rounds, ch), jnp.int32),
            pltpu.VMEM((rounds, ch, D), jnp.float32),
            pltpu.SemaphoreType.DMA,
        ],
    )
    def gather(table_hbm, idx_hbm, out_hbm, idx_v, rows_v, sem):
        wid = lax.axis_index("s") * info.num_cores + lax.axis_index("c")
        for g in range(rounds):
            base = (g * nw + wid) * ch
            pltpu.sync_copy(idx_hbm.at[pl.ds(base, ch)], idx_v.at[g])
        copies = []
        for g in range(rounds):
            copies.append(pltpu.async_copy(
                table_hbm.at[idx_v.at[g]], rows_v.at[g], sem))
        for g in range(rounds):
            base = (g * nw + wid) * ch
            copies[g].wait()
            pltpu.sync_copy(rows_v.at[g], out_hbm.at[pl.ds(base, ch)])

    return gather


def kernel(z, proj_w, proj_b, embed):
    B, C, H, W = z.shape
    z3 = z.reshape(B, C_IN, H * W)
    idx, loss_acc = _distance_argmin(
        z3, proj_w, proj_b.reshape(D, 1), embed)
    z_q = _make_gather(N_TOK)(embed, idx)
    z_q_flat = z_q.reshape(B, H, W, D)
    z_q_st = z_q_flat.transpose(0, 3, 1, 2)
    latent_loss = (loss_acc * (12.5 / (N_TOK * D))).reshape(())
    z_q_ind = idx.reshape(B, H, W)
    return (z_q_st, z_q_flat, latent_loss, z_q_ind)

# --- scband reference (transcript-rebuilt; emitter-appended) ---
"""Pipeline reference for scband-vqvaequantize-85796266705314 (READ-ONLY COPY).

The authoritative reference and input builder live on the scoring server;
editing this copy changes nothing except your own understanding.
"""

import jax, jax.numpy as jnp
import numpy as np


def setup_inputs(seed: int = 0) -> dict:
    key = jax.random.key(seed)
    k1, k2, k3 = jax.random.split(key, 3)
    z = jax.random.normal(k1, (8, 192, 32, 32), dtype=jnp.float32)
    proj_w = jax.random.normal(k2, (64, 192), dtype=jnp.float32) * 0.05
    proj_b = jnp.zeros((64,), dtype=jnp.float32)
    embed = jax.random.normal(k3, (8192, 64), dtype=jnp.float32)
    return {"z": z, "proj_w": proj_w, "proj_b": proj_b, "embed": embed}


def reference(z, proj_w, proj_b, embed):
    B, C, H, W = z.shape
    D = embed.shape[1]
    # 1x1 Conv2d(num_hiddens -> embedding_dim)
    z_e = jnp.einsum('bchw,oc->bohw', z, proj_w) + proj_b[None, :, None, None]
    z_e = jnp.transpose(z_e, (0, 2, 3, 1))  # (B, H, W, D)
    flatten = z_e.reshape(-1, D)
    # squared L2 distance to each codebook vector
    dist = (flatten ** 2).sum(axis=1, keepdims=True) \
        - 2.0 * flatten @ embed.T \
        + (embed ** 2).sum(axis=1)[None, :]
    z_q_ind = jnp.argmax(-dist, axis=1)
    z_q_ind = z_q_ind.reshape(B, H, W)
    z_q_emb = jnp.take(embed, z_q_ind, axis=0)  # (B, H, W, D)
    commitment_cost = 0.25
    latent_loss = commitment_cost * jnp.mean((jax.lax.stop_gradient(z_q_emb) - z_e) ** 2) \
        + jnp.mean((z_q_emb - jax.lax.stop_gradient(z_e)) ** 2)
    latent_loss = latent_loss * 10.0  # kld_scale
    z_q_flat = z_q_emb
    # straight-through estimator
    z_q_st = z_e + jax.lax.stop_gradient(z_q_emb - z_e)
    z_q_st = jnp.transpose(z_q_st, (0, 3, 1, 2))  # (B, D, H, W)
    return (z_q_st, z_q_flat, latent_loss, z_q_ind)

if __name__ == "__main__":
    import jax
    _d = setup_inputs()
    print(jax.jit(kernel)(*tuple(_d.values())))

</pallas_src>

<mosaic_0001>
#map = affine_map<(d0, d1) -> (0, 0)>
#map1 = affine_map<(d0, d1) -> (0)>
module attributes {stable_mosaic.version = 14 : i64} {
  func.func @gather(%arg0: i32, %arg1: i32, %arg2: memref<8192x64xf32, #tpu.memory_space<hbm>>, %arg3: memref<8192xi32, #tpu.memory_space<hbm>>, %arg4: memref<8192x64xf32, #tpu.memory_space<hbm>>, %arg5: memref<2x128xi32, #tpu.memory_space<vmem>>, %arg6: memref<2x128x64xf32, #tpu.memory_space<vmem>>, %arg7: memref<!tpu.dma_semaphore, #tpu.memory_space<semaphore_mem>>) attributes {dimension_semantics = [#tpu.dimension_semantics<core_parallel>, #tpu.dimension_semantics<subcore_parallel>], iteration_bounds = array<i64: 2, 16>, scalar_prefetch = 0 : i64, scratch_operands = 3 : i64, tpu.core_type = #tpu.core_type<sc_vector_subcore>, window_params = [{transform_indices = #map}, {transform_indices = #map1}, {transform_indices = #map}]} {
    %mul3A = arith.constant 2 : i32
    %mul3A_0 = arith.muli %arg1, %mul3A : i32
    %add3A = arith.addi %mul3A_0, %arg0 : i32
    %add3A_1 = arith.constant 0 : i32
    %add3A_2 = arith.addi %add3A_1, %add3A : i32
    %mul3A_3 = arith.constant 128 : i32
    %mul3A_4 = arith.muli %add3A_2, %mul3A_3 : i32
    %run_scoped3A = arith.constant 0 : i32
    "tpu.region"() ({
      %run_scoped3A_66 = tpu.sem_alloc : memref<!tpu.dma_semaphore, #tpu.memory_space<semaphore_mem>>
      %dma_start3A_67 = arith.constant 0 : i32
      %dma_start3A_68 = tpu.memref_slice %arg5[%run_scoped3A, %dma_start3A_67] : memref<2x128xi32, #tpu.memory_space<vmem>> -> memref<1x128xi32, #tpu.memory_space<vmem>>
      %dma_start3A_69 = tpu.memref_squeeze %dma_start3A_68 : memref<1x128xi32, #tpu.memory_space<vmem>> -> memref<128xi32, #tpu.memory_space<vmem>>
      %dma_start3A_70 = tpu.memref_slice %arg3[%mul3A_4] : memref<8192xi32, #tpu.memory_space<hbm>> -> memref<128xi32, #tpu.memory_space<hbm>>
      %dma_start3A_71 = arith.constant 0 : i32
      %dma_start3A_72 = tpu.memref_slice %arg5[%run_scoped3A, %dma_start3A_71] : memref<2x128xi32, #tpu.memory_space<vmem>> -> memref<1x128xi32, #tpu.memory_space<vmem>>
      %dma_start3A_73 = tpu.memref_squeeze %dma_start3A_72 : memref<1x128xi32, #tpu.memory_space<vmem>> -> memref<128xi32, #tpu.memory_space<vmem>>
      %dma_start3A_74 = tpu.memref_slice %arg3[%mul3A_4] : memref<8192xi32, #tpu.memory_space<hbm>> -> memref<128xi32, #tpu.memory_space<hbm>>
      tpu.enqueue_dma source(%dma_start3A_74 : memref<128xi32, #tpu.memory_space<hbm>>) target(%dma_start3A_73 : memref<128xi32, #tpu.memory_space<vmem>>) target_semaphore(%run_scoped3A_66 : memref<!tpu.dma_semaphore, #tpu.memory_space<semaphore_mem>>)
      %dma_wait3A_75 = arith.constant 0 : i32
      %dma_wait3A_76 = tpu.memref_slice %arg5[%run_scoped3A, %dma_wait3A_75] : memref<2x128xi32, #tpu.memory_space<vmem>> -> memref<1x128xi32, #tpu.memory_space<vmem>>
      %dma_wait3A_77 = tpu.memref_squeeze %dma_wait3A_76 : memref<1x128xi32, #tpu.memory_space<vmem>> -> memref<128xi32, #tpu.memory_space<vmem>>
      %dma_wait3A_78 = tpu.memref_slice %arg3[%mul3A_4] : memref<8192xi32, #tpu.memory_space<hbm>> -> memref<128xi32, #tpu.memory_space<hbm>>
      %dma_wait3A_79 = arith.constant 0 : i32
      %dma_wait3A_80 = tpu.memref_slice %arg5[%run_scoped3A, %dma_wait3A_79] : memref<2x128xi32, #tpu.memory_space<vmem>> -> memref<1x128xi32, #tpu.memory_space<vmem>>
      %dma_wait3A_81 = tpu.memref_squeeze %dma_wait3A_80 : memref<1x128xi32, #tpu.memory_space<vmem>> -> memref<128xi32, #tpu.memory_space<vmem>>
      %dma_wait3A_82 = tpu.memref_slice %arg3[%mul3A_4] : memref<8192xi32, #tpu.memory_space<hbm>> -> memref<128xi32, #tpu.memory_space<hbm>>
      tpu.wait_dma2 semaphore(%run_scoped3A_66 : memref<!tpu.dma_semaphore, #tpu.memory_space<semaphore_mem>>) src(%dma_wait3A_82 : memref<128xi32, #tpu.memory_space<hbm>>) dst(%dma_wait3A_81 : memref<128xi32, #tpu.memory_space<vmem>>)
      tpu.yield
    }) : () -> ()
    %add3A_5 = arith.constant 32 : i32
    %add3A_6 = arith.addi %add3A_5, %add3A : i32
    %mul3A_7 = arith.constant 128 : i32
    %mul3A_8 = arith.muli %add3A_6, %mul3A_7 : i32
    %run_scoped3A_9 = arith.constant 1 : i32
    "tpu.region"() ({
      %run_scoped3A_66 = tpu.sem_alloc : memref<!tpu.dma_semaphore, #tpu.memory_space<semaphore_mem>>
      %dma_start3A_67 = arith.constant 0 : i32
      %dma_start3A_68 = tpu.memref_slice %arg5[%run_scoped3A_9, %dma_start3A_67] : memref<2x128xi32, #tpu.memory_space<vmem>> -> memref<1x128xi32, #tpu.memory_space<vmem>>
      %dma_start3A_69 = tpu.memref_squeeze %dma_start3A_68 : memref<1x128xi32, #tpu.memory_space<vmem>> -> memref<128xi32, #tpu.memory_space<vmem>>
      %dma_start3A_70 = tpu.memref_slice %arg3[%mul3A_8] : memref<8192xi32, #tpu.memory_space<hbm>> -> memref<128xi32, #tpu.memory_space<hbm>>
      %dma_start3A_71 = arith.constant 0 : i32
      %dma_start3A_72 = tpu.memref_slice %arg5[%run_scoped3A_9, %dma_start3A_71] : memref<2x128xi32, #tpu.memory_space<vmem>> -> memref<1x128xi32, #tpu.memory_space<vmem>>
      %dma_start3A_73 = tpu.memref_squeeze %dma_start3A_72 : memref<1x128xi32, #tpu.memory_space<vmem>> -> memref<128xi32, #tpu.memory_space<vmem>>
      %dma_start3A_74 = tpu.memref_slice %arg3[%mul3A_8] : memref<8192xi32, #tpu.memory_space<hbm>> -> memref<128xi32, #tpu.memory_space<hbm>>
      tpu.enqueue_dma source(%dma_start3A_74 : memref<128xi32, #tpu.memory_space<hbm>>) target(%dma_start3A_73 : memref<128xi32, #tpu.memory_space<vmem>>) target_semaphore(%run_scoped3A_66 : memref<!tpu.dma_semaphore, #tpu.memory_space<semaphore_mem>>)
      %dma_wait3A_75 = arith.constant 0 : i32
      %dma_wait3A_76 = tpu.memref_slice %arg5[%run_scoped3A_9, %dma_wait3A_75] : memref<2x128xi32, #tpu.memory_space<vmem>> -> memref<1x128xi32, #tpu.memory_space<vmem>>
      %dma_wait3A_77 = tpu.memref_squeeze %dma_wait3A_76 : memref<1x128xi32, #tpu.memory_space<vmem>> -> memref<128xi32, #tpu.memory_space<vmem>>
      %dma_wait3A_78 = tpu.memref_slice %arg3[%mul3A_8] : memref<8192xi32, #tpu.memory_space<hbm>> -> memref<128xi32, #tpu.memory_space<hbm>>
      %dma_wait3A_79 = arith.constant 0 : i32
      %dma_wait3A_80 = tpu.memref_slice %arg5[%run_scoped3A_9, %dma_wait3A_79] : memref<2x128xi32, #tpu.memory_space<vmem>> -> memref<1x128xi32, #tpu.memory_space<vmem>>
      %dma_wait3A_81 = tpu.memref_squeeze %dma_wait3A_80 : memref<1x128xi32, #tpu.memory_space<vmem>> -> memref<128xi32, #tpu.memory_space<vmem>>
      %dma_wait3A_82 = tpu.memref_slice %arg3[%mul3A_8] : memref<8192xi32, #tpu.memory_space<hbm>> -> memref<128xi32, #tpu.memory_space<hbm>>
      tpu.wait_dma2 semaphore(%run_scoped3A_66 : memref<!tpu.dma_semaphore, #tpu.memory_space<semaphore_mem>>) src(%dma_wait3A_82 : memref<128xi32, #tpu.memory_space<hbm>>) dst(%dma_wait3A_81 : memref<128xi32, #tpu.memory_space<vmem>>)
      tpu.yield
    }) : () -> ()
    %dma_start3A = arith.constant 0 : i32
    %dma_start3A_10 = arith.constant 0 : i32
    %dma_start3A_11 = arith.constant 0 : i32
    %dma_start3A_12 = arith.constant 0 : i32
    %dma_start3A_13 = tpu.memref_slice %arg6[%dma_start3A_10, %dma_start3A_11, %dma_start3A_12] : memref<2x128x64xf32, #tpu.memory_space<vmem>> -> memref<1x128x64xf32, #tpu.memory_space<vmem>>
    %dma_start3A_14 = tpu.memref_squeeze %dma_start3A_13 : memref<1x128x64xf32, #tpu.memory_space<vmem>> -> memref<128x64xf32, #tpu.memory_space<vmem>>
    %dma_start3A_15 = arith.constant 0 : i32
    %dma_start3A_16 = tpu.memref_slice %arg5[%dma_start3A, %dma_start3A_15] : memref<2x128xi32, #tpu.memory_space<vmem>> -> memref<1x128xi32, #tpu.memory_space<vmem>>
    %dma_start3A_17 = tpu.memref_squeeze %dma_start3A_16 : memref<1x128xi32, #tpu.memory_space<vmem>> -> memref<128xi32, #tpu.memory_space<vmem>>
    %dma_start3A_18 = arith.constant 0 : i32
    %dma_start3A_19 = arith.constant 0 : i32
    %dma_start3A_20 = tpu.memref_slice %arg2[%dma_start3A_18, %dma_start3A_19] : memref<8192x64xf32, #tpu.memory_space<hbm>> -> memref<8192x64xf32, #tpu.memory_space<hbm>>
    tpu.enqueue_indirect_dma source(%dma_start3A_20 : memref<8192x64xf32, #tpu.memory_space<hbm>>) target(%dma_start3A_14 : memref<128x64xf32, #tpu.memory_space<vmem>>) offsets(%dma_start3A_17 : memref<128xi32, #tpu.memory_space<vmem>>) semaphore(%arg7 : memref<!tpu.dma_semaphore, #tpu.memory_space<semaphore_mem>>)
    %dma_start3A_21 = arith.constant 1 : i32
    %dma_start3A_22 = arith.constant 1 : i32
    %dma_start3A_23 = arith.constant 0 : i32
    %dma_start3A_24 = arith.constant 0 : i32
    %dma_start3A_25 = tpu.memref_slice %arg6[%dma_start3A_22, %dma_start3A_23, %dma_start3A_24] : memref<2x128x64xf32, #tpu.memory_space<vmem>> -> memref<1x128x64xf32, #tpu.memory_space<vmem>>
    %dma_start3A_26 = tpu.memref_squeeze %dma_start3A_25 : memref<1x128x64xf32, #tpu.memory_space<vmem>> -> memref<128x64xf32, #tpu.memory_space<vmem>>
    %dma_start3A_27 = arith.constant 0 : i32
    %dma_start3A_28 = tpu.memref_slice %arg5[%dma_start3A_21, %dma_start3A_27] : memref<2x128xi32, #tpu.memory_space<vmem>> -> memref<1x128xi32, #tpu.memory_space<vmem>>
    %dma_start3A_29 = tpu.memref_squeeze %dma_start3A_28 : memref<1x128xi32, #tpu.memory_space<vmem>> -> memref<128xi32, #tpu.memory_space<vmem>>
    %dma_start3A_30 = arith.constant 0 : i32
    %dma_start3A_31 = arith.constant 0 : i32
    %dma_start3A_32 = tpu.memref_slice %arg2[%dma_start3A_30, %dma_start3A_31] : memref<8192x64xf32, #tpu.memory_space<hbm>> -> memref<8192x64xf32, #tpu.memory_space<hbm>>
    tpu.enqueue_indirect_dma source(%dma_start3A_32 : memref<8192x64xf32, #tpu.memory_space<hbm>>) target(%dma_start3A_26 : memref<128x64xf32, #tpu.memory_space<vmem>>) offsets(%dma_start3A_29 : memref<128xi32, #tpu.memory_space<vmem>>) semaphore(%arg7 : memref<!tpu.dma_semaphore, #tpu.memory_space<semaphore_mem>>)
    %add3A_33 = arith.constant 0 : i32
    %add3A_34 = arith.addi %add3A_33, %add3A : i32
    %mul3A_35 = arith.constant 128 : i32
    %mul3A_36 = arith.muli %add3A_34, %mul3A_35 : i32
    %dma_wait3A = arith.constant 0 : i32
    %dma_wait3A_37 = arith.constant 0 : i32
    %dma_wait3A_38 = arith.constant 0 : i32
    %dma_wait3A_39 = arith.constant 0 : i32
    %dma_wait3A_40 = tpu.memref_slice %arg6[%dma_wait3A_37, %dma_wait3A_38, %dma_wait3A_39] : memref<2x128x64xf32, #tpu.memory_space<vmem>> -> memref<1x128x64xf32, #tpu.memory_space<vmem>>
    %dma_wait3A_41 = tpu.memref_squeeze %dma_wait3A_40 : memref<1x128x64xf32, #tpu.memory_space<vmem>> -> memref<128x64xf32, #tpu.memory_space<vmem>>
    %dma_wait3A_42 = arith.constant 0 : i32
    %dma_wait3A_43 = tpu.memref_slice %arg5[%dma_wait3A, %dma_wait3A_42] : memref<2x128xi32, #tpu.memory_space<vmem>> -> memref<1x128xi32, #tpu.memory_space<vmem>>
    %dma_wait3A_44 = tpu.memref_squeeze %dma_wait3A_43 : memref<1x128xi32, #tpu.memory_space<vmem>> -> memref<128xi32, #tpu.memory_space<vmem>>
    %dma_wait3A_45 = arith.constant 0 : i32
    %dma_wait3A_46 = arith.constant 0 : i32
    %dma_wait3A_47 = tpu.memref_slice %arg2[%dma_wait3A_45, %dma_wait3A_46] : memref<8192x64xf32, #tpu.memory_space<hbm>> -> memref<8192x64xf32, #tpu.memory_space<hbm>>
    tpu.wait_indirect_dma semaphore(%arg7 : memref<!tpu.dma_semaphore, #tpu.memory_space<semaphore_mem>>) src(%dma_wait3A_47 : memref<8192x64xf32, #tpu.memory_space<hbm>>) dst(%dma_wait3A_41 : memref<128x64xf32, #tpu.memory_space<vmem>>)
    %run_scoped3A_48 = arith.constant 0 : i32
    "tpu.region"() ({
      %run_scoped3A_66 = tpu.sem_alloc : memref<!tpu.dma_semaphore, #tpu.memory_space<semaphore_mem>>
      %dma_start3A_67 = arith.constant 0 : i32
      %dma_start3A_68 = arith.constant 0 : i32
      %dma_start3A_69 = tpu.memref_slice %arg6[%run_scoped3A_48, %dma_start3A_67, %dma_start3A_68] : memref<2x128x64xf32, #tpu.memory_space<vmem>> -> memref<1x128x64xf32, #tpu.memory_space<vmem>>
      %dma_start3A_70 = tpu.memref_squeeze %dma_start3A_69 : memref<1x128x64xf32, #tpu.memory_space<vmem>> -> memref<128x64xf32, #tpu.memory_space<vmem>>
      %dma_start3A_71 = arith.constant 0 : i32
      %dma_start3A_72 = tpu.memref_slice %arg4[%mul3A_36, %dma_start3A_71] : memref<8192x64xf32, #tpu.memory_space<hbm>> -> memref<128x64xf32, #tpu.memory_space<hbm>>
      %dma_start3A_73 = arith.constant 0 : i32
      %dma_start3A_74 = tpu.memref_slice %arg4[%mul3A_36, %dma_start3A_73] : memref<8192x64xf32, #tpu.memory_space<hbm>> -> memref<128x64xf32, #tpu.memory_space<hbm>>
      %dma_start3A_75 = arith.constant 0 : i32
      %dma_start3A_76 = arith.constant 0 : i32
      %dma_start3A_77 = tpu.memref_slice %arg6[%run_scoped3A_48, %dma_start3A_75, %dma_start3A_76] : memref<2x128x64xf32, #tpu.memory_space<vmem>> -> memref<1x128x64xf32, #tpu.memory_space<vmem>>
      %dma_start3A_78 = tpu.memref_squeeze %dma_start3A_77 : memref<1x128x64xf32, #tpu.memory_space<vmem>> -> memref<128x64xf32, #tpu.memory_space<vmem>>
      tpu.enqueue_dma source(%dma_start3A_78 : memref<128x64xf32, #tpu.memory_space<vmem>>) target(%dma_start3A_74 : memref<128x64xf32, #tpu.memory_space<hbm>>) target_semaphore(%run_scoped3A_66 : memref<!tpu.dma_semaphore, #tpu.memory_space<semaphore_mem>>)
      %dma_wait3A_79 = arith.constant 0 : i32
      %dma_wait3A_80 = arith.constant 0 : i32
      %dma_wait3A_81 = tpu.memref_slice %arg6[%run_scoped3A_48, %dma_wait3A_79, %dma_wait3A_80] : memref<2x128x64xf32, #tpu.memory_space<vmem>> -> memref<1x128x64xf32, #tpu.memory_space<vmem>>
      %dma_wait3A_82 = tpu.memref_squeeze %dma_wait3A_81 : memref<1x128x64xf32, #tpu.memory_space<vmem>> -> memref<128x64xf32, #tpu.memory_space<vmem>>
      %dma_wait3A_83 = arith.constant 0 : i32
      %dma_wait3A_84 = tpu.memref_slice %arg4[%mul3A_36, %dma_wait3A_83] : memref<8192x64xf32, #tpu.memory_space<hbm>> -> memref<128x64xf32, #tpu.memory_space<hbm>>
      %dma_wait3A_85 = arith.constant 0 : i32
      %dma_wait3A_86 = tpu.memref_slice %arg4[%mul3A_36, %dma_wait3A_85] : memref<8192x64xf32, #tpu.memory_space<hbm>> -> memref<128x64xf32, #tpu.memory_space<hbm>>
      %dma_wait3A_87 = arith.constant 0 : i32
      %dma_wait3A_88 = arith.constant 0 : i32
      %dma_wait3A_89 = tpu.memref_slice %arg6[%run_scoped3A_48, %dma_wait3A_87, %dma_wait3A_88] : memref<2x128x64xf32, #tpu.memory_space<vmem>> -> memref<1x128x64xf32, #tpu.memory_space<vmem>>
      %dma_wait3A_90 = tpu.memref_squeeze %dma_wait3A_89 : memref<1x128x64xf32, #tpu.memory_space<vmem>> -> memref<128x64xf32, #tpu.memory_space<vmem>>
      tpu.wait_dma2 semaphore(%run_scoped3A_66 : memref<!tpu.dma_semaphore, #tpu.memory_space<semaphore_mem>>) src(%dma_wait3A_90 : memref<128x64xf32, #tpu.memory_space<vmem>>) dst(%dma_wait3A_86 : memref<128x64xf32, #tpu.memory_space<hbm>>)
      tpu.yield
    }) : () -> ()
    %add3A_49 = arith.constant 32 : i32
    %add3A_50 = arith.addi %add3A_49, %add3A : i32
    %mul3A_51 = arith.constant 128 : i32
    %mul3A_52 = arith.muli %add3A_50, %mul3A_51 : i32
    %dma_wait3A_53 = arith.constant 1 : i32
    %dma_wait3A_54 = arith.constant 1 : i32
    %dma_wait3A_55 = arith.constant 0 : i32
    %dma_wait3A_56 = arith.constant 0 : i32
    %dma_wait3A_57 = tpu.memref_slice %arg6[%dma_wait3A_54, %dma_wait3A_55, %dma_wait3A_56] : memref<2x128x64xf32, #tpu.memory_space<vmem>> -> memref<1x128x64xf32, #tpu.memory_space<vmem>>
    %dma_wait3A_58 = tpu.memref_squeeze %dma_wait3A_57 : memref<1x128x64xf32, #tpu.memory_space<vmem>> -> memref<128x64xf32, #tpu.memory_space<vmem>>
    %dma_wait3A_59 = arith.constant 0 : i32
    %dma_wait3A_60 = tpu.memref_slice %arg5[%dma_wait3A_53, %dma_wait3A_59] : memref<2x128xi32, #tpu.memory_space<vmem>> -> memref<1x128xi32, #tpu.memory_space<vmem>>
    %dma_wait3A_61 = tpu.memref_squeeze %dma_wait3A_60 : memref<1x128xi32, #tpu.memory_space<vmem>> -> memref<128xi32, #tpu.memory_space<vmem>>
    %dma_wait3A_62 = arith.constant 0 : i32
    %dma_wait3A_63 = arith.constant 0 : i32
    %dma_wait3A_64 = tpu.memref_slice %arg2[%dma_wait3A_62, %dma_wait3A_63] : memref<8192x64xf32, #tpu.memory_space<hbm>> -> memref<8192x64xf32, #tpu.memory_space<hbm>>
    tpu.wait_indirect_dma semaphore(%arg7 : memref<!tpu.dma_semaphore, #tpu.memory_space<semaphore_mem>>) src(%dma_wait3A_64 : memref<8192x64xf32, #tpu.memory_space<hbm>>) dst(%dma_wait3A_58 : memref<128x64xf32, #tpu.memory_space<vmem>>)
    %run_scoped3A_65 = arith.constant 1 : i32
    "tpu.region"() ({
      %run_scoped3A_66 = tpu.sem_alloc : memref<!tpu.dma_semaphore, #tpu.memory_space<semaphore_mem>>
      %dma_start3A_67 = arith.constant 0 : i32
      %dma_start3A_68 = arith.constant 0 : i32
      %dma_start3A_69 = tpu.memref_slice %arg6[%run_scoped3A_65, %dma_start3A_67, %dma_start3A_68] : memref<2x128x64xf32, #tpu.memory_space<vmem>> -> memref<1x128x64xf32, #tpu.memory_space<vmem>>
      %dma_start3A_70 = tpu.memref_squeeze %dma_start3A_69 : memref<1x128x64xf32, #tpu.memory_space<vmem>> -> memref<128x64xf32, #tpu.memory_space<vmem>>
      %dma_start3A_71 = arith.constant 0 : i32
      %dma_start3A_72 = tpu.memref_slice %arg4[%mul3A_52, %dma_start3A_71] : memref<8192x64xf32, #tpu.memory_space<hbm>> -> memref<128x64xf32, #tpu.memory_space<hbm>>
      %dma_start3A_73 = arith.constant 0 : i32
      %dma_start3A_74 = tpu.memref_slice %arg4[%mul3A_52, %dma_start3A_73] : memref<8192x64xf32, #tpu.memory_space<hbm>> -> memref<128x64xf32, #tpu.memory_space<hbm>>
      %dma_start3A_75 = arith.constant 0 : i32
      %dma_start3A_76 = arith.constant 0 : i32
      %dma_start3A_77 = tpu.memref_slice %arg6[%run_scoped3A_65, %dma_start3A_75, %dma_start3A_76] : memref<2x128x64xf32, #tpu.memory_space<vmem>> -> memref<1x128x64xf32, #tpu.memory_space<vmem>>
      %dma_start3A_78 = tpu.memref_squeeze %dma_start3A_77 : memref<1x128x64xf32, #tpu.memory_space<vmem>> -> memref<128x64xf32, #tpu.memory_space<vmem>>
      tpu.enqueue_dma source(%dma_start3A_78 : memref<128x64xf32, #tpu.memory_space<vmem>>) target(%dma_start3A_74 : memref<128x64xf32, #tpu.memory_space<hbm>>) target_semaphore(%run_scoped3A_66 : memref<!tpu.dma_semaphore, #tpu.memory_space<semaphore_mem>>)
      %dma_wait3A_79 = arith.constant 0 : i32
      %dma_wait3A_80 = arith.constant 0 : i32
      %dma_wait3A_81 = tpu.memref_slice %arg6[%run_scoped3A_65, %dma_wait3A_79, %dma_wait3A_80] : memref<2x128x64xf32, #tpu.memory_space<vmem>> -> memref<1x128x64xf32, #tpu.memory_space<vmem>>
      %dma_wait3A_82 = tpu.memref_squeeze %dma_wait3A_81 : memref<1x128x64xf32, #tpu.memory_space<vmem>> -> memref<128x64xf32, #tpu.memory_space<vmem>>
      %dma_wait3A_83 = arith.constant 0 : i32
      %dma_wait3A_84 = tpu.memref_slice %arg4[%mul3A_52, %dma_wait3A_83] : memref<8192x64xf32, #tpu.memory_space<hbm>> -> memref<128x64xf32, #tpu.memory_space<hbm>>
      %dma_wait3A_85 = arith.constant 0 : i32
      %dma_wait3A_86 = tpu.memref_slice %arg4[%mul3A_52, %dma_wait3A_85] : memref<8192x64xf32, #tpu.memory_space<hbm>> -> memref<128x64xf32, #tpu.memory_space<hbm>>
      %dma_wait3A_87 = arith.constant 0 : i32
      %dma_wait3A_88 = arith.constant 0 : i32
      %dma_wait3A_89 = tpu.memref_slice %arg6[%run_scoped3A_65, %dma_wait3A_87, %dma_wait3A_88] : memref<2x128x64xf32, #tpu.memory_space<vmem>> -> memref<1x128x64xf32, #tpu.memory_space<vmem>>
      %dma_wait3A_90 = tpu.memref_squeeze %dma_wait3A_89 : memref<1x128x64xf32, #tpu.memory_space<vmem>> -> memref<128x64xf32, #tpu.memory_space<vmem>>
      tpu.wait_dma2 semaphore(%run_scoped3A_66 : memref<!tpu.dma_semaphore, #tpu.memory_space<semaphore_mem>>) src(%dma_wait3A_90 : memref<128x64xf32, #tpu.memory_space<vmem>>) dst(%dma_wait3A_86 : memref<128x64xf32, #tpu.memory_space<hbm>>)
      tpu.yield
    }) : () -> ()
    return
  }
}

module attributes {stable_mosaic.version = 14 : i64} {
  func.func @_tc_body(%arg0: i32, %arg1: memref<1x192x1024xf32, #tpu.memory_space<vmem>>, %arg2: memref<64x192xf32, #tpu.memory_space<vmem>>, %arg3: memref<64x1xf32, #tpu.memory_space<vmem>>, %arg4: memref<8192x64xf32, #tpu.memory_space<vmem>>, %arg5: memref<1024xi32, #tpu.memory_space<vmem>>, %arg6: memref<1x1xf32, #tpu.memory_space<vmem>>, %arg7: memref<8192x1xf32, #tpu.memory_space<vmem>>) attributes {dimension_semantics = [#tpu.dimension_semantics<arbitrary>], iteration_bounds = array<i64: 8>, scalar_prefetch = 0 : i64, scratch_operands = 1 : i64, tpu.core_type = #tpu.core_type<tc>, window_params = [{transform_indices = @transform_0, window_bounds = array<i64: 1, 192, 1024>}, {pipeline_mode = #tpu.pipeline_mode<synchronous>, transform_indices = @transform_1, window_bounds = array<i64: 64, 192>}, {pipeline_mode = #tpu.pipeline_mode<synchronous>, transform_indices = @transform_2, window_bounds = array<i64: 64, 1>}, {pipeline_mode = #tpu.pipeline_mode<synchronous>, transform_indices = @transform_3, window_bounds = array<i64: 8192, 64>}, {transform_indices = @transform_4, window_bounds = array<i64: 1024>}, {pipeline_mode = #tpu.pipeline_mode<synchronous>, transform_indices = @transform_5, window_bounds = array<i64: 1, 1>}]} {
    %eq3A = arith.constant 0 : i32
    %eq3A_0 = arith.cmpi eq, %arg0, %eq3A : i32
    %convert_element_type3A = arith.extui %eq3A_0 : i1 to i32
    %cond3A = arith.constant 0 : i32
    %cond3A_1 = arith.cmpi ne, %convert_element_type3A, %cond3A : i32
    scf.if %cond3A_1 {
      %get3A_271 = arith.constant 0 : index
      %get3A_272 = arith.constant 0 : index
      %get3A_273 = vector.load %arg4[%get3A_271, %get3A_272] : memref<8192x64xf32, #tpu.memory_space<vmem>>, vector<8192x64xf32>
      %mul3A_274 = arith.mulf %get3A_273, %get3A_273 : vector<8192x64xf32>
      %reduce_sum3A_275 = arith.constant dense<0.000000e+00> : vector<8192xf32>
      %reduce_sum3A_276 = vector.multi_reduction <add>, %mul3A_274, %reduce_sum3A_275 [1] : vector<8192x64xf32> to vector<8192xf32>
      %broadcast_in_dim3A_277 = vector.shape_cast %reduce_sum3A_276 : vector<8192xf32> to vector<8192x1xf32>
      %swap3A_278 = arith.constant 0 : index
      %swap3A_279 = arith.constant 0 : index
      %swap3A_280 = vector.load %arg7[%swap3A_278, %swap3A_279] : memref<8192x1xf32, #tpu.memory_space<vmem>>, vector<8192x1xf32>
      tpu.vector_store %arg7[%swap3A_278, %swap3A_279], %broadcast_in_dim3A_277 {strides = array<i32>} : memref<8192x1xf32, #tpu.memory_space<vmem>>, vector<8192x1xf32>,
    } else {
    }
    %get3A = arith.constant 0 : index
    %get3A_2 = arith.constant 0 : index
    %get3A_3 = arith.constant 0 : index
    %get3A_4 = vector.load %arg1[%get3A, %get3A_2, %get3A_3] : memref<1x192x1024xf32, #tpu.memory_space<vmem>>, vector<1x192x1024xf32>
    %get3A_5 = vector.shape_cast %get3A_4 : vector<1x192x1024xf32> to vector<192x1024xf32>
    %get3A_6 = arith.constant 0 : index
    %get3A_7 = arith.constant 0 : index
    %get3A_8 = vector.load %arg2[%get3A_6, %get3A_7] : memref<64x192xf32, #tpu.memory_space<vmem>>, vector<64x192xf32>
    %dot_general3A = arith.constant dense<0.000000e+00> : vector<64x1024xf32>
    %dot_general3A_9 = tpu.matmul %get3A_8, %get3A_5, %dot_general3A {dimension_numbers = #tpu.dot_dimension_numbers<[1], [0], [0], [1], [0, 0, 1, 1], [], []>, transpose_lhs_hint = false} : vector<64x192xf32>, vector<192x1024xf32>, vector<64x1024xf32> -> vector<64x1024xf32>
    %get3A_10 = arith.constant 0 : index
    %get3A_11 = arith.constant 0 : index
    %get3A_12 = vector.load %arg3[%get3A_10, %get3A_11] : memref<64x1xf32, #tpu.memory_space<vmem>>, vector<64x1xf32>
    %add3A = vector.broadcast %get3A_12 : vector<64x1xf32> to vector<64x1024xf32>
    %add3A_13 = arith.addf %dot_general3A_9, %add3A : vector<64x1024xf32>
    %mul3A = arith.mulf %add3A_13, %add3A_13 : vector<64x1024xf32>
    %reduce_sum3A = arith.constant dense<0.000000e+00> : vector<1024xf32>
    %reduce_sum3A_14 = vector.multi_reduction <add>, %mul3A, %reduce_sum3A [0] : vector<64x1024xf32> to vector<1024xf32>
    %broadcast_in_dim3A = vector.shape_cast %reduce_sum3A_14 : vector<1024xf32> to vector<1x1024xf32>
    %mul3A_15 = arith.constant -2.000000e+00 : f32
    %mul3A_16 = vector.broadcast %mul3A_15 : f32 to vector<64x1024xf32>
    %mul3A_17 = arith.mulf %add3A_13, %mul3A_16 : vector<64x1024xf32>
    %broadcast_in_dim3A_18 = arith.constant 0x7F800000 : f32
    %broadcast_in_dim3A_19 = vector.broadcast %broadcast_in_dim3A_18 : f32 to vector<1x1024xf32>
    %broadcast_in_dim3A_20 = arith.constant 0.000000e+00 : f32
    %broadcast_in_dim3A_21 = vector.broadcast %broadcast_in_dim3A_20 : f32 to vector<1x1024xf32>
    %iota3A = tpu.iota {dimensions = array<i32: 0>} : vector<1024x1024xi32>
    %convert_element_type3A_22 = arith.sitofp %iota3A : vector<1024x1024xi32> to vector<1024x1024xf32>
    %get3A_23 = arith.constant 0 : index
    %get3A_24 = arith.constant 0 : index
    %get3A_25 = vector.load %arg4[%get3A_23, %get3A_24] : memref<8192x64xf32, #tpu.memory_space<vmem>>, vector<1024x64xf32>
    %dot_general3A_26 = arith.constant dense<0.000000e+00> : vector<1024x1024xf32>
    %dot_general3A_27 = tpu.matmul %get3A_25, %mul3A_17, %dot_general3A_26 {dimension_numbers = #tpu.dot_dimension_numbers<[1], [0], [0], [1], [0, 0, 1, 1], [], []>, transpose_lhs_hint = false} : vector<1024x64xf32>, vector<64x1024xf32>, vector<1024x1024xf32> -> vector<1024x1024xf32>
    %get3A_28 = arith.constant 0 : index
    %get3A_29 = arith.constant 0 : index
    %get3A_30 = vector.load %arg7[%get3A_28, %get3A_29] : memref<8192x1xf32, #tpu.memory_space<vmem>>, vector<1024x1xf32>
    %add3A_31 = vector.broadcast %broadcast_in_dim3A : vector<1x1024xf32> to vector<1024x1024xf32>
    %add3A_32 = arith.addf %add3A_31, %dot_general3A_27 : vector<1024x1024xf32>
    %add3A_33 = vector.broadcast %get3A_30 : vector<1024x1xf32> to vector<1024x1024xf32>
    %add3A_34 = arith.addf %add3A_32, %add3A_33 : vector<1024x1024xf32>
    %reduce_min3A = arith.constant dense<0x7F800000> : vector<1024xf32>
    %reduce_min3A_35 = vector.multi_reduction <minimumf>, %add3A_34, %reduce_min3A [0] : vector<1024x1024xf32> to vector<1024xf32>
    %broadcast_in_dim3A_36 = vector.shape_cast %reduce_min3A_35 : vector<1024xf32> to vector<1x1024xf32>
    %eq3A_37 = vector.broadcast %broadcast_in_dim3A_36 : vector<1x1024xf32> to vector<1024x1024xf32>
    %eq3A_38 = arith.cmpf oeq, %add3A_34, %eq3A_37 : vector<1024x1024xf32>
    %jit3A = arith.constant 8.192000e+03 : f32
    %broadcast_in_dim3A_39 = vector.broadcast %jit3A : f32 to vector<1024x1024xf32>
    %select_n3A = arith.select %eq3A_38, %convert_element_type3A_22, %broadcast_in_dim3A_39 : vector<1024x1024xi1>, vector<1024x1024xf32>
    %reduce_min3A_40 = arith.constant dense<0x7F800000> : vector<1024xf32>
    %reduce_min3A_41 = vector.multi_reduction <minimumf>, %select_n3A, %reduce_min3A_40 [0] : vector<1024x1024xf32> to vector<1024xf32>
    %broadcast_in_dim3A_42 = vector.shape_cast %reduce_min3A_41 : vector<1024xf32> to vector<1x1024xf32>
    %add3A_43 = arith.constant 0.000000e+00 : f32
    %add3A_44 = vector.broadcast %add3A_43 : f32 to vector<1x1024xf32>
    %add3A_45 = arith.addf %broadcast_in_dim3A_42, %add3A_44 : vector<1x1024xf32>
    %lt3A = arith.cmpf olt, %broadcast_in_dim3A_36, %broadcast_in_dim3A_19 : vector<1x1024xf32>
    %select_n3A_46 = arith.select %lt3A, %broadcast_in_dim3A_36, %broadcast_in_dim3A_19 : vector<1x1024xi1>, vector<1x1024xf32>
    %select_n3A_47 = arith.select %lt3A, %add3A_45, %broadcast_in_dim3A_21 : vector<1x1024xi1>, vector<1x1024xf32>
    %get3A_48 = arith.constant 1024 : index
    %get3A_49 = arith.constant 0 : index
    %get3A_50 = vector.load %arg4[%get3A_48, %get3A_49] : memref<8192x64xf32, #tpu.memory_space<vmem>>, vector<1024x64xf32>
    %dot_general3A_51 = arith.constant dense<0.000000e+00> : vector<1024x1024xf32>
    %dot_general3A_52 = tpu.matmul %get3A_50, %mul3A_17, %dot_general3A_51 {dimension_numbers = #tpu.dot_dimension_numbers<[1], [0], [0], [1], [0, 0, 1, 1], [], []>, transpose_lhs_hint = false} : vector<1024x64xf32>, vector<64x1024xf32>, vector<1024x1024xf32> -> vector<1024x1024xf32>
    %get3A_53 = arith.constant 1024 : index
    %get3A_54 = arith.constant 0 : index
    %get3A_55 = vector.load %arg7[%get3A_53, %get3A_54] : memref<8192x1xf32, #tpu.memory_space<vmem>>, vector<1024x1xf32>
    %add3A_56 = vector.broadcast %broadcast_in_dim3A : vector<1x1024xf32> to vector<1024x1024xf32>
    %add3A_57 = arith.addf %add3A_56, %dot_general3A_52 : vector<1024x1024xf32>
    %add3A_58 = vector.broadcast %get3A_55 : vector<1024x1xf32> to vector<1024x1024xf32>
    %add3A_59 = arith.addf %add3A_57, %add3A_58 : vector<1024x1024xf32>
    %reduce_min3A_60 = arith.constant dense<0x7F800000> : vector<1024xf32>
    %reduce_min3A_61 = vector.multi_reduction <minimumf>, %add3A_59, %reduce_min3A_60 [0] : vector<1024x1024xf32> to vector<1024xf32>
    %broadcast_in_dim3A_62 = vector.shape_cast %reduce_min3A_61 : vector<1024xf32> to vector<1x1024xf32>
    %eq3A_63 = vector.broadcast %broadcast_in_dim3A_62 : vector<1x1024xf32> to vector<1024x1024xf32>
    %eq3A_64 = arith.cmpf oeq, %add3A_59, %eq3A_63 : vector<1024x1024xf32>
    %jit3A_65 = arith.constant 8.192000e+03 : f32
    %broadcast_in_dim3A_66 = vector.broadcast %jit3A_65 : f32 to vector<1024x1024xf32>
    %select_n3A_67 = arith.select %eq3A_64, %convert_element_type3A_22, %broadcast_in_dim3A_66 : vector<1024x1024xi1>, vector<1024x1024xf32>
    %reduce_min3A_68 = arith.constant dense<0x7F800000> : vector<1024xf32>
    %reduce_min3A_69 = vector.multi_reduction <minimumf>, %select_n3A_67, %reduce_min3A_68 [0] : vector<1024x1024xf32> to vector<1024xf32>
    %broadcast_in_dim3A_70 = vector.shape_cast %reduce_min3A_69 : vector<1024xf32> to vector<1x1024xf32>
    %add3A_71 = arith.constant 1.024000e+03 : f32
    %add3A_72 = vector.broadcast %add3A_71 : f32 to vector<1x1024xf32>
    %add3A_73 = arith.addf %broadcast_in_dim3A_70, %add3A_72 : vector<1x1024xf32>
    %lt3A_74 = arith.cmpf olt, %broadcast_in_dim3A_62, %select_n3A_46 : vector<1x1024xf32>
    %select_n3A_75 = arith.select %lt3A_74, %broadcast_in_dim3A_62, %select_n3A_46 : vector<1x1024xi1>, vector<1x1024xf32>
    %select_n3A_76 = arith.select %lt3A_74, %add3A_73, %select_n3A_47 : vector<1x1024xi1>, vector<1x1024xf32>
    %get3A_77 = arith.constant 2048 : index
    %get3A_78 = arith.constant 0 : index
    %get3A_79 = vector.load %arg4[%get3A_77, %get3A_78] : memref<8192x64xf32, #tpu.memory_space<vmem>>, vector<1024x64xf32>
    %dot_general3A_80 = arith.constant dense<0.000000e+00> : vector<1024x1024xf32>
    %dot_general3A_81 = tpu.matmul %get3A_79, %mul3A_17, %dot_general3A_80 {dimension_numbers = #tpu.dot_dimension_numbers<[1], [0], [0], [1], [0, 0, 1, 1], [], []>, transpose_lhs_hint = false} : vector<1024x64xf32>, vector<64x1024xf32>, vector<1024x1024xf32> -> vector<1024x1024xf32>
    %get3A_82 = arith.constant 2048 : index
    %get3A_83 = arith.constant 0 : index
    %get3A_84 = vector.load %arg7[%get3A_82, %get3A_83] : memref<8192x1xf32, #tpu.memory_space<vmem>>, vector<1024x1xf32>
    %add3A_85 = vector.broadcast %broadcast_in_dim3A : vector<1x1024xf32> to vector<1024x1024xf32>
    %add3A_86 = arith.addf %add3A_85, %dot_general3A_81 : vector<1024x1024xf32>
    %add3A_87 = vector.broadcast %get3A_84 : vector<1024x1xf32> to vector<1024x1024xf32>
    %add3A_88 = arith.addf %add3A_86, %add3A_87 : vector<1024x1024xf32>
    %reduce_min3A_89 = arith.constant dense<0x7F800000> : vector<1024xf32>
    %reduce_min3A_90 = vector.multi_reduction <minimumf>, %add3A_88, %reduce_min3A_89 [0] : vector<1024x1024xf32> to vector<1024xf32>
    %broadcast_in_dim3A_91 = vector.shape_cast %reduce_min3A_90 : vector<1024xf32> to vector<1x1024xf32>
    %eq3A_92 = vector.broadcast %broadcast_in_dim3A_91 : vector<1x1024xf32> to vector<1024x1024xf32>
    %eq3A_93 = arith.cmpf oeq, %add3A_88, %eq3A_92 : vector<1024x1024xf32>
    %jit3A_94 = arith.constant 8.192000e+03 : f32
    %broadcast_in_dim3A_95 = vector.broadcast %jit3A_94 : f32 to vector<1024x1024xf32>
    %select_n3A_96 = arith.select %eq3A_93, %convert_element_type3A_22, %broadcast_in_dim3A_95 : vector<1024x1024xi1>, vector<1024x1024xf32>
    %reduce_min3A_97 = arith.constant dense<0x7F800000> : vector<1024xf32>
    %reduce_min3A_98 = vector.multi_reduction <minimumf>, %select_n3A_96, %reduce_min3A_97 [0] : vector<1024x1024xf32> to vector<1024xf32>
    %broadcast_in_dim3A_99 = vector.shape_cast %reduce_min3A_98 : vector<1024xf32> to vector<1x1024xf32>
    %add3A_100 = arith.constant 2.048000e+03 : f32
    %add3A_101 = vector.broadcast %add3A_100 : f32 to vector<1x1024xf32>
    %add3A_102 = arith.addf %broadcast_in_dim3A_99, %add3A_101 : vector<1x1024xf32>
    %lt3A_103 = arith.cmpf olt, %broadcast_in_dim3A_91, %select_n3A_75 : vector<1x1024xf32>
    %select_n3A_104 = arith.select %lt3A_103, %broadcast_in_dim3A_91, %select_n3A_75 : vector<1x1024xi1>, vector<1x1024xf32>
    %select_n3A_105 = arith.select %lt3A_103, %add3A_102, %select_n3A_76 : vector<1x1024xi1>, vector<1x1024xf32>
    %get3A_106 = arith.constant 3072 : index
    %get3A_107 = arith.constant 0 : index
    %get3A_108 = vector.load %arg4[%get3A_106, %get3A_107] : memref<8192x64xf32, #tpu.memory_space<vmem>>, vector<1024x64xf32>
    %dot_general3A_109 = arith.constant dense<0.000000e+00> : vector<1024x1024xf32>
    %dot_general3A_110 = tpu.matmul %get3A_108, %mul3A_17, %dot_general3A_109 {dimension_numbers = #tpu.dot_dimension_numbers<[1], [0], [0], [1], [0, 0, 1, 1], [], []>, transpose_lhs_hint = false} : vector<1024x64xf32>, vector<64x1024xf32>, vector<1024x1024xf32> -> vector<1024x1024xf32>
    %get3A_111 = arith.constant 3072 : index
    %get3A_112 = arith.constant 0 : index
    %get3A_113 = vector.load %arg7[%get3A_111, %get3A_112] : memref<8192x1xf32, #tpu.memory_space<vmem>>, vector<1024x1xf32>
    %add3A_114 = vector.broadcast %broadcast_in_dim3A : vector<1x1024xf32> to vector<1024x1024xf32>
    %add3A_115 = arith.addf %add3A_114, %dot_general3A_110 : vector<1024x1024xf32>
    %add3A_116 = vector.broadcast %get3A_113 : vector<1024x1xf32> to vector<1024x1024xf32>
    %add3A_117 = arith.addf %add3A_115, %add3A_116 : vector<1024x1024xf32>
    %reduce_min3A_118 = arith.constant dense<0x7F800000> : vector<1024xf32>
    %reduce_min3A_119 = vector.multi_reduction <minimumf>, %add3A_117, %reduce_min3A_118 [0] : vector<1024x1024xf32> to vector<1024xf32>
    %broadcast_in_dim3A_120 = vector.shape_cast %reduce_min3A_119 : vector<1024xf32> to vector<1x1024xf32>
    %eq3A_121 = vector.broadcast %broadcast_in_dim3A_120 : vector<1x1024xf32> to vector<1024x1024xf32>
    %eq3A_122 = arith.cmpf oeq, %add3A_117, %eq3A_121 : vector<1024x1024xf32>
    %jit3A_123 = arith.constant 8.192000e+03 : f32
    %broadcast_in_dim3A_124 = vector.broadcast %jit3A_123 : f32 to vector<1024x1024xf32>
    %select_n3A_125 = arith.select %eq3A_122, %convert_element_type3A_22, %broadcast_in_dim3A_124 : vector<1024x1024xi1>, vector<1024x1024xf32>
    %reduce_min3A_126 = arith.constant dense<0x7F800000> : vector<1024xf32>
    %reduce_min3A_127 = vector.multi_reduction <minimumf>, %select_n3A_125, %reduce_min3A_126 [0] : vector<1024x1024xf32> to vector<1024xf32>
    %broadcast_in_dim3A_128 = vector.shape_cast %reduce_min3A_127 : vector<1024xf32> to vector<1x1024xf32>
    %add3A_129 = arith.constant 3.072000e+03 : f32
    %add3A_130 = vector.broadcast %add3A_129 : f32 to vector<1x1024xf32>
    %add3A_131 = arith.addf %broadcast_in_dim3A_128, %add3A_130 : vector<1x1024xf32>
    %lt3A_132 = arith.cmpf olt, %broadcast_in_dim3A_120, %select_n3A_104 : vector<1x1024xf32>
    %select_n3A_133 = arith.select %lt3A_132, %broadcast_in_dim3A_120, %select_n3A_104 : vector<1x1024xi1>, vector<1x1024xf32>
    %select_n3A_134 = arith.select %lt3A_132, %add3A_131, %select_n3A_105 : vector<1x1024xi1>, vector<1x1024xf32>
    %get3A_135 = arith.constant 4096 : index
    %get3A_136 = arith.constant 0 : index
    %get3A_137 = vector.load %arg4[%get3A_135, %get3A_136] : memref<8192x64xf32, #tpu.memory_space<vmem>>, vector<1024x64xf32>
    %dot_general3A_138 = arith.constant dense<0.000000e+00> : vector<1024x1024xf32>
    %dot_general3A_139 = tpu.matmul %get3A_137, %mul3A_17, %dot_general3A_138 {dimension_numbers = #tpu.dot_dimension_numbers<[1], [0], [0], [1], [0, 0, 1, 1], [], []>, transpose_lhs_hint = false} : vector<1024x64xf32>, vector<64x1024xf32>, vector<1024x1024xf32> -> vector<1024x1024xf32>
    %get3A_140 = arith.constant 4096 : index
    %get3A_141 = arith.constant 0 : index
    %get3A_142 = vector.load %arg7[%get3A_140, %get3A_141] : memref<8192x1xf32, #tpu.memory_space<vmem>>, vector<1024x1xf32>
    %add3A_143 = vector.broadcast %broadcast_in_dim3A : vector<1x1024xf32> to vector<1024x1024xf32>
    %add3A_144 = arith.addf %add3A_143, %dot_general3A_139 : vector<1024x1024xf32>
    %add3A_145 = vector.broadcast %get3A_142 : vector<1024x1xf32> to vector<1024x1024xf32>
    %add3A_146 = arith.addf %add3A_144, %add3A_145 : vector<1024x1024xf32>
    %reduce_min3A_147 = arith.constant dense<0x7F800000> : vector<1024xf32>
    %reduce_min3A_148 = vector.multi_reduction <minimumf>, %add3A_146, %reduce_min3A_147 [0] : vector<1024x1024xf32> to vector<1024xf32>
    %broadcast_in_dim3A_149 = vector.shape_cast %reduce_min3A_148 : vector<1024xf32> to vector<1x1024xf32>
    %eq3A_150 = vector.broadcast %broadcast_in_dim3A_149 : vector<1x1024xf32> to vector<1024x1024xf32>
    %eq3A_151 = arith.cmpf oeq, %add3A_146, %eq3A_150 : vector<1024x1024xf32>
    %jit3A_152 = arith.constant 8.192000e+03 : f32
    %broadcast_in_dim3A_153 = vector.broadcast %jit3A_152 : f32 to vector<1024x1024xf32>
    %select_n3A_154 = arith.select %eq3A_151, %convert_element_type3A_22, %broadcast_in_dim3A_153 : vector<1024x1024xi1>, vector<1024x1024xf32>
    %reduce_min3A_155 = arith.constant dense<0x7F800000> : vector<1024xf32>
    %reduce_min3A_156 = vector.multi_reduction <minimumf>, %select_n3A_154, %reduce_min3A_155 [0] : vector<1024x1024xf32> to vector<1024xf32>
    %broadcast_in_dim3A_157 = vector.shape_cast %reduce_min3A_156 : vector<1024xf32> to vector<1x1024xf32>
    %add3A_158 = arith.constant 4.096000e+03 : f32
    %add3A_159 = vector.broadcast %add3A_158 : f32 to vector<1x1024xf32>
    %add3A_160 = arith.addf %broadcast_in_dim3A_157, %add3A_159 : vector<1x1024xf32>
    %lt3A_161 = arith.cmpf olt, %broadcast_in_dim3A_149, %select_n3A_133 : vector<1x1024xf32>
    %select_n3A_162 = arith.select %lt3A_161, %broadcast_in_dim3A_149, %select_n3A_133 : vector<1x1024xi1>, vector<1x1024xf32>
    %select_n3A_163 = arith.select %lt3A_161, %add3A_160, %select_n3A_134 : vector<1x1024xi1>, vector<1x1024xf32>
    %get3A_164 = arith.constant 5120 : index
    %get3A_165 = arith.constant 0 : index
    %get3A_166 = vector.load %arg4[%get3A_164, %get3A_165] : memref<8192x64xf32, #tpu.memory_space<vmem>>, vector<1024x64xf32>
    %dot_general3A_167 = arith.constant dense<0.000000e+00> : vector<1024x1024xf32>
    %dot_general3A_168 = tpu.matmul %get3A_166, %mul3A_17, %dot_general3A_167 {dimension_numbers = #tpu.dot_dimension_numbers<[1], [0], [0], [1], [0, 0, 1, 1], [], []>, transpose_lhs_hint = false} : vector<1024x64xf32>, vector<64x1024xf32>, vector<1024x1024xf32> -> vector<1024x1024xf32>
    %get3A_169 = arith.constant 5120 : index
    %get3A_170 = arith.constant 0 : index
    %get3A_171 = vector.load %arg7[%get3A_169, %get3A_170] : memref<8192x1xf32, #tpu.memory_space<vmem>>, vector<1024x1xf32>
    %add3A_172 = vector.broadcast %broadcast_in_dim3A : vector<1x1024xf32> to vector<1024x1024xf32>
    %add3A_173 = arith.addf %add3A_172, %dot_general3A_168 : vector<1024x1024xf32>
    %add3A_174 = vector.broadcast %get3A_171 : vector<1024x1xf32> to vector<1024x1024xf32>
    %add3A_175 = arith.addf %add3A_173, %add3A_174 : vector<1024x1024xf32>
    %reduce_min3A_176 = arith.constant dense<0x7F800000> : vector<1024xf32>
    %reduce_min3A_177 = vector.multi_reduction <minimumf>, %add3A_175, %reduce_min3A_176 [0] : vector<1024x1024xf32> to vector<1024xf32>
    %broadcast_in_dim3A_178 = vector.shape_cast %reduce_min3A_177 : vector<1024xf32> to vector<1x1024xf32>
    %eq3A_179 = vector.broadcast %broadcast_in_dim3A_178 : vector<1x1024xf32> to vector<1024x1024xf32>
    %eq3A_180 = arith.cmpf oeq, %add3A_175, %eq3A_179 : vector<1024x1024xf32>
    %jit3A_181 = arith.constant 8.192000e+03 : f32
    %broadcast_in_dim3A_182 = vector.broadcast %jit3A_181 : f32 to vector<1024x1024xf32>
    %select_n3A_183 = arith.select %eq3A_180, %convert_element_type3A_22, %broadcast_in_dim3A_182 : vector<1024x1024xi1>, vector<1024x1024xf32>
    %reduce_min3A_184 = arith.constant dense<0x7F800000> : vector<1024xf32>
    %reduce_min3A_185 = vector.multi_reduction <minimumf>, %select_n3A_183, %reduce_min3A_184 [0] : vector<1024x1024xf32> to vector<1024xf32>
    %broadcast_in_dim3A_186 = vector.shape_cast %reduce_min3A_185 : vector<1024xf32> to vector<1x1024xf32>
    %add3A_187 = arith.constant 5.120000e+03 : f32
    %add3A_188 = vector.broadcast %add3A_187 : f32 to vector<1x1024xf32>
    %add3A_189 = arith.addf %broadcast_in_dim3A_186, %add3A_188 : vector<1x1024xf32>
    %lt3A_190 = arith.cmpf olt, %broadcast_in_dim3A_178, %select_n3A_162 : vector<1x1024xf32>
    %select_n3A_191 = arith.select %lt3A_190, %broadcast_in_dim3A_178, %select_n3A_162 : vector<1x1024xi1>, vector<1x1024xf32>
    %select_n3A_192 = arith.select %lt3A_190, %add3A_189, %select_n3A_163 : vector<1x1024xi1>, vector<1x1024xf32>
    %get3A_193 = arith.constant 6144 : index
    %get3A_194 = arith.constant 0 : index
    %get3A_195 = vector.load %arg4[%get3A_193, %get3A_194] : memref<8192x64xf32, #tpu.memory_space<vmem>>, vector<1024x64xf32>
    %dot_general3A_196 = arith.constant dense<0.000000e+00> : vector<1024x1024xf32>
    %dot_general3A_197 = tpu.matmul %get3A_195, %mul3A_17, %dot_general3A_196 {dimension_numbers = #tpu.dot_dimension_numbers<[1], [0], [0], [1], [0, 0, 1, 1], [], []>, transpose_lhs_hint = false} : vector<1024x64xf32>, vector<64x1024xf32>, vector<1024x1024xf32> -> vector<1024x1024xf32>
    %get3A_198 = arith.constant 6144 : index
    %get3A_199 = arith.constant 0 : index
    %get3A_200 = vector.load %arg7[%get3A_198, %get3A_199] : memref<8192x1xf32, #tpu.memory_space<vmem>>, vector<1024x1xf32>
    %add3A_201 = vector.broadcast %broadcast_in_dim3A : vector<1x1024xf32> to vector<1024x1024xf32>
    %add3A_202 = arith.addf %add3A_201, %dot_general3A_197 : vector<1024x1024xf32>
    %add3A_203 = vector.broadcast %get3A_200 : vector<1024x1xf32> to vector<1024x1024xf32>
    %add3A_204 = arith.addf %add3A_202, %add3A_203 : vector<1024x1024xf32>
    %reduce_min3A_205 = arith.constant dense<0x7F800000> : vector<1024xf32>
    %reduce_min3A_206 = vector.multi_reduction <minimumf>, %add3A_204, %reduce_min3A_205 [0] : vector<1024x1024xf32> to vector<1024xf32>
    %broadcast_in_dim3A_207 = vector.shape_cast %reduce_min3A_206 : vector<1024xf32> to vector<1x1024xf32>
    %eq3A_208 = vector.broadcast %broadcast_in_dim3A_207 : vector<1x1024xf32> to vector<1024x1024xf32>
    %eq3A_209 = arith.cmpf oeq, %add3A_204, %eq3A_208 : vector<1024x1024xf32>
    %jit3A_210 = arith.constant 8.192000e+03 : f32
    %broadcast_in_dim3A_211 = vector.broadcast %jit3A_210 : f32 to vector<1024x1024xf32>
    %select_n3A_212 = arith.select %eq3A_209, %convert_element_type3A_22, %broadcast_in_dim3A_211 : vector<1024x1024xi1>, vector<1024x1024xf32>
    %reduce_min3A_213 = arith.constant dense<0x7F800000> : vector<1024xf32>
    %reduce_min3A_214 = vector.multi_reduction <minimumf>, %select_n3A_212, %reduce_min3A_213 [0] : vector<1024x1024xf32> to vector<1024xf32>
    %broadcast_in_dim3A_215 = vector.shape_cast %reduce_min3A_214 : vector<1024xf32> to vector<1x1024xf32>
    %add3A_216 = arith.constant 6.144000e+03 : f32
    %add3A_217 = vector.broadcast %add3A_216 : f32 to vector<1x1024xf32>
    %add3A_218 = arith.addf %broadcast_in_dim3A_215, %add3A_217 : vector<1x1024xf32>
    %lt3A_219 = arith.cmpf olt, %broadcast_in_dim3A_207, %select_n3A_191 : vector<1x1024xf32>
    %select_n3A_220 = arith.select %lt3A_219, %broadcast_in_dim3A_207, %select_n3A_191 : vector<1x1024xi1>, vector<1x1024xf32>
    %select_n3A_221 = arith.select %lt3A_219, %add3A_218, %select_n3A_192 : vector<1x1024xi1>, vector<1x1024xf32>
    %get3A_222 = arith.constant 7168 : index
    %get3A_223 = arith.constant 0 : index
    %get3A_224 = vector.load %arg4[%get3A_222, %get3A_223] : memref<8192x64xf32, #tpu.memory_space<vmem>>, vector<1024x64xf32>
    %dot_general3A_225 = arith.constant dense<0.000000e+00> : vector<1024x1024xf32>
    %dot_general3A_226 = tpu.matmul %get3A_224, %mul3A_17, %dot_general3A_225 {dimension_numbers = #tpu.dot_dimension_numbers<[1], [0], [0], [1], [0, 0, 1, 1], [], []>, transpose_lhs_hint = false} : vector<1024x64xf32>, vector<64x1024xf32>, vector<1024x1024xf32> -> vector<1024x1024xf32>
    %get3A_227 = arith.constant 7168 : index
    %get3A_228 = arith.constant 0 : index
    %get3A_229 = vector.load %arg7[%get3A_227, %get3A_228] : memref<8192x1xf32, #tpu.memory_space<vmem>>, vector<1024x1xf32>
    %add3A_230 = vector.broadcast %broadcast_in_dim3A : vector<1x1024xf32> to vector<1024x1024xf32>
    %add3A_231 = arith.addf %add3A_230, %dot_general3A_226 : vector<1024x1024xf32>
    %add3A_232 = vector.broadcast %get3A_229 : vector<1024x1xf32> to vector<1024x1024xf32>
    %add3A_233 = arith.addf %add3A_231, %add3A_232 : vector<1024x1024xf32>
    %reduce_min3A_234 = arith.constant dense<0x7F800000> : vector<1024xf32>
    %reduce_min3A_235 = vector.multi_reduction <minimumf>, %add3A_233, %reduce_min3A_234 [0] : vector<1024x1024xf32> to vector<1024xf32>
    %broadcast_in_dim3A_236 = vector.shape_cast %reduce_min3A_235 : vector<1024xf32> to vector<1x1024xf32>
    %eq3A_237 = vector.broadcast %broadcast_in_dim3A_236 : vector<1x1024xf32> to vector<1024x1024xf32>
    %eq3A_238 = arith.cmpf oeq, %add3A_233, %eq3A_237 : vector<1024x1024xf32>
    %jit3A_239 = arith.constant 8.192000e+03 : f32
    %broadcast_in_dim3A_240 = vector.broadcast %jit3A_239 : f32 to vector<1024x1024xf32>
    %select_n3A_241 = arith.select %eq3A_238, %convert_element_type3A_22, %broadcast_in_dim3A_240 : vector<1024x1024xi1>, vector<1024x1024xf32>
    %reduce_min3A_242 = arith.constant dense<0x7F800000> : vector<1024xf32>
    %reduce_min3A_243 = vector.multi_reduction <minimumf>, %select_n3A_241, %reduce_min3A_242 [0] : vector<1024x1024xf32> to vector<1024xf32>
    %broadcast_in_dim3A_244 = vector.shape_cast %reduce_min3A_243 : vector<1024xf32> to vector<1x1024xf32>
    %add3A_245 = arith.constant 7.168000e+03 : f32
    %add3A_246 = vector.broadcast %add3A_245 : f32 to vector<1x1024xf32>
    %add3A_247 = arith.addf %broadcast_in_dim3A_244, %add3A_246 : vector<1x1024xf32>
    %lt3A_248 = arith.cmpf olt, %broadcast_in_dim3A_236, %select_n3A_220 : vector<1x1024xf32>
    %select_n3A_249 = arith.select %lt3A_248, %broadcast_in_dim3A_236, %select_n3A_220 : vector<1x1024xi1>, vector<1x1024xf32>
    %select_n3A_250 = arith.select %lt3A_248, %add3A_247, %select_n3A_221 : vector<1x1024xi1>, vector<1x1024xf32>
    %convert_element_type3A_251 = arith.fptosi %select_n3A_250 : vector<1x1024xf32> to vector<1x1024xi32>
    %reshape3A = vector.shape_cast %convert_element_type3A_251 : vector<1x1024xi32> to vector<1024xi32>
    %swap3A = arith.constant 0 : index
    %swap3A_252 = vector.load %arg5[%swap3A] : memref<1024xi32, #tpu.memory_space<vmem>>, vector<1024xi32>
    tpu.vector_store %arg5[%swap3A], %reshape3A {strides = array<i32>} : memref<1024xi32, #tpu.memory_space<vmem>>, vector<1024xi32>,
    %eq3A_253 = arith.constant 0 : i32
    %eq3A_254 = arith.cmpi eq, %arg0, %eq3A_253 : i32
    %get3A_255 = arith.constant 0 : index
    %get3A_256 = arith.constant 0 : index
    %get3A_257 = vector.load %arg6[%get3A_255, %get3A_256] : memref<1x1xf32, #tpu.memory_space<vmem>>, vector<1x1xf32>
    %jit3A_258 = arith.constant 0.000000e+00 : f32
    %broadcast_in_dim3A_259 = vector.broadcast %jit3A_258 : f32 to vector<1x1xf32>
    %select_n3A_260 = arith.select %eq3A_254, %broadcast_in_dim3A_259, %get3A_257 : vector<1x1xf32>
    %reduce_sum3A_261 = vector.shape_cast %select_n3A_249 : vector<1x1024xf32> to vector<1x1x1024xf32>
    %reduce_sum3A_262 = arith.constant dense<0.000000e+00> : vector<1xf32>
    %reduce_sum3A_263 = vector.multi_reduction <add>, %reduce_sum3A_261, %reduce_sum3A_262 [1, 2] : vector<1x1x1024xf32> to vector<1xf32>
    %reduce_sum3A_264 = vector.shape_cast %reduce_sum3A_263 : vector<1xf32> to vector<1x1x1xf32>
    %reduce_sum3A_265 = vector.extract %reduce_sum3A_264[0, 0, 0] : f32 from vector<1x1x1xf32>
    %reshape3A_266 = vector.broadcast %reduce_sum3A_265 : f32 to vector<1x1xf32>
    %add3A_267 = arith.addf %select_n3A_260, %reshape3A_266 : vector<1x1xf32>
    %swap3A_268 = arith.constant 0 : index
    %swap3A_269 = arith.constant 0 : index
    %swap3A_270 = vector.load %arg6[%swap3A_268, %swap3A_269] : memref<1x1xf32, #tpu.memory_space<vmem>>, vector<1x1xf32>
    tpu.vector_store %arg6[%swap3A_268, %swap3A_269], %add3A_267 {strides = array<i32>} : memref<1x1xf32, #tpu.memory_space<vmem>>, vector<1x1xf32>,
    return
  }
  func.func @transform_0(%arg0: i32) -> (i32, i32, i32) {
    %c0_i32 = arith.constant 0 : i32
    %c0_i32_0 = arith.constant 0 : i32
    %c0_i32_1 = arith.constant 0 : i32
    return %arg0, %c0_i32, %c0_i32_0 : i32, i32, i32
  }
  func.func @transform_1(%arg0: i32) -> (i32, i32) {
    %c0_i32 = arith.constant 0 : i32
    %c0_i32_0 = arith.constant 0 : i32
    %c0_i32_1 = arith.constant 0 : i32
    return %c0_i32, %c0_i32_0 : i32, i32
  }
  func.func @transform_2(%arg0: i32) -> (i32, i32) {
    %c0_i32 = arith.constant 0 : i32
    %c0_i32_0 = arith.constant 0 : i32
    %c0_i32_1 = arith.constant 0 : i32
    return %c0_i32, %c0_i32_0 : i32, i32
  }
  func.func @transform_3(%arg0: i32) -> (i32, i32) {
    %c0_i32 = arith.constant 0 : i32
    %c0_i32_0 = arith.constant 0 : i32
    %c0_i32_1 = arith.constant 0 : i32
    return %c0_i32, %c0_i32_0 : i32, i32
  }
  func.func @transform_4(%arg0: i32) -> i32 {
    %c0_i32 = arith.constant 0 : i32
    return %arg0 : i32
  }
  func.func @transform_5(%arg0: i32) -> (i32, i32) {
    %c0_i32 = arith.constant 0 : i32
    %c0_i32_0 = arith.constant 0 : i32
    %c0_i32_1 = arith.constant 0 : i32
    return %c0_i32, %c0_i32_0 : i32, i32
  }
}

</mosaic_0001>

<sc_bundles>
// kernel: kernel.4.cloned.1.call-start
scs
__scs_entry_jumppad:
0x0: {  	(pc) =	sbr.rel $0x88, $3  }
0x1: {  	(tag) =	ssettag $0x0;
	lr =	simm.s32 $0x1  }
0x2: {  	[smem:$0x3F9D] =	sst lr;
	_ =	strace $0xD0000000  }
0x3: {  	_ = 	snop  }
0x4: {  	_ = 	snop  }
0x5: {  	_ = 	snop  }
0x6: {  	_ = 	snop  }
0x7: {  	_ = 	snop  }
__scs_overlays_trampoline_lowered:
0x8: {  	[smem:$0x3FAC] =	sst s0  }
0x9: {  	[smem:$0x3FAD] =	sst s1  }
0xa: {  	[smem:$0x3FAE] =	sst s2  }
0xb: {  	[smem:$0x3FAF] =	sst s3  }
0xc: {  	[smem:$0x3FB0] =	sst s4  }
0xd: {  	[smem:$0x3FB1] =	sst s5  }
0xe: {  	[smem:$0x3FB2] =	sst s6  }
0xf: {  	[smem:$0x3FB3] =	sst s7  }
0x10: {  	[smem:$0x3FB4] =	sst s8  }
0x11: {  	[smem:$0x3FB5] =	sst s9;
	s0 =	simm.s32 @!p0 $0x0  }
0x12: {  	s1 =	sld [smem:$0x3F9B];
	s0 =	simm.s32 @p0 $0x1  }
0x13: {  	[smem:$0x3FB6] =	sst s0;
	s0 =	simm.s32 @!p1 $0x0  }
0x14: {  	s2 =	sld [smem:$0x3F9A];
	s0 =	simm.s32 @p1 $0x1  }
0x15: {  	[smem:$0x3FB7] =	sst s0;
	s0 =	simm.s32 @!p2 $0x0  }
0x16: {  	s3 =	sld [smem:$0x3FDB];
	s0 =	simm.s32 @p2 $0x1  }
0x17: {  	s4 =	simm.s32 $0x1BF5;
	[smem:$0x3FB9] =	sst s0  }
0x18: {  	s0 =	sld [smem:$0x3F9C];
	_ =	swait.ge [sflag:s4], $0x0  }
0x19: {  	s7 =	sld [smem:$0x3F9D]  }
0x1a: {  	s8 =	sadd.s32 $0xFFFFE003, lr  }
0x1b: {  	s9 =	sadd.s32 $0xFFFFFEF7, lr;
	s5 =	simm.s32 $0xFFFFFFFF;
	p2 =	slt.u32 s8, $0xFFFFF086  }
0x1c: {  	p1 =	slt.u32 s9, $0xF7A;
	s5 =	simm.s32 @!p2 $0x0  }
0x1d: {  	s5 =	simm.s32 @p1 $0x1;
	p0 =	seq.s32 s7, s2  }
0x1e: {  	s7 =	smul.u32 @!p0 $0xF7A, s2;
	p2 =	seq.s32 @!p0 s5, $0x0  }
0x1f: {  	s9 =	smul.u32 $0xF7A, s1;
	s8 =	simm.s32 @!p0 $0x1BF5;
	p2 =	por !p2, p0  }
0x20: {  	[sflag:s8] =	ssyncset.s32 @!p0 $0xFFFFF086;
	s6 =	sadd.s32 @!p0 s3, s7;
	s7 =	simm.s32 @!p0 $0x108  }
0x21: {  	s3 =	sadd.s32 s3, s9;
	s6 =	sadd.s32 @!p0 $0x88, s6;
	s7 =	simm.s32 @p2 $0x1082  }
0x22: {  	[simem:s7], [sflag:s8] =	dma.local @!p0 [hbm:s6], $0xF7A  }
0x23: {  	s9 =	sor.u32 $0xD0000000, s2;
	s6 =	simm.s32 $0x108;
	_ =	swait.ge @!p0 [sflag:s8], $0x0  }
0x24: {  	s3 =	sadd.s32 $0x88, s3;
	s6 =	simm.s32 @!p1 $0x1082;
	[sflag:s4] =	ssyncset.s32 $0xFFFFF086  }
0x25: {  	[simem:s6], [sflag:s4] =	dma.local [hbm:s3], $0xF7A  }
0x26: {  	[smem:$0x3F9D] =	sst s1;
	(tag) =	ssettag s2;
	_ =	strace s9  }
0x27: {  	s1 =	sld [smem:$0x3FAD]  }
0x28: {  	s2 =	sld [smem:$0x3FAE]  }
0x29: {  	s4 =	sld [smem:$0x3FB0]  }
0x2a: {  	p0 =	seq.s32 s5, $0x0;
	s5 =	sld [smem:$0x3FB1]  }
0x2b: {  	s6 =	sld [smem:$0x3FB2]  }
0x2c: {  	s7 =	sld [smem:$0x3FB3]  }
0x2d: {  	s3 =	simm.s32 $0x108;
	s8 =	sld [smem:$0x3FB4]  }
0x2e: {  	s3 =	simm.s32 @!p0 $0x1082;
	s9 =	sld [smem:$0x3FB5]  }
0x2f: {  	lr =	sadd.s32 s0, s3;
	s0 =	sld [smem:$0x3FAC]  }
0x30: {  	s3 =	sld [smem:$0x3FAF]  }
0x31: {  	[smem:$0x3FB8] =	sst s10  }
0x32: {  	s10 =	sld [smem:$0x3FB6];
	_ =	sdelay $0x3  }
0x33: {  	p0 =	seq.s32 s10, $0x1;
	s10 =	sld [smem:$0x3FB8];
	_ =	sdelay $0x3  }
0x34: {  	[smem:$0x3FB8] =	sst s10  }
0x35: {  	s10 =	sld [smem:$0x3FB7];
	_ =	sdelay $0x3  }
0x36: {  	p1 =	seq.s32 s10, $0x1;
	s10 =	sld [smem:$0x3FB8];
	_ =	sdelay $0x3  }
0x37: {  	[smem:$0x3FB8] =	sst s10  }
0x38: {  	s10 =	sld [smem:$0x3FB9]  }
0x39: {  	_ = 	snop;
	(pc) =	sbr.ind lr, $3  }
0x3a: {  	_ = 	snop  }
0x3b: {  	_ = 	snop  }
0x3c: {  	p2 =	seq.s32 s10, $0x1;
	s10 =	sld [smem:$0x3FB8]  }
0x3d: {  	_ =	shalt  }
0x3e: {  	_ =	shalt  }
0x3f: {  	_ =	shalt  }
0x40: {  	_ =	shalt  }
0x41: {  	_ =	shalt  }
0x42: {  	_ =	shalt  }
0x43: {  	_ =	shalt  }
0x44: {  	_ =	shalt  }
0x45: {  	_ =	shalt  }
0x46: {  	_ =	shalt  }
0x47: {  	_ =	shalt  }
0x48: {  	_ =	shalt  }
0x49: {  	_ =	shalt  }
0x4a: {  	_ =	shalt  }
0x4b: {  	_ =	shalt  }
0x4c: {  	_ =	shalt  }
0x4d: {  	_ =	shalt  }
0x4e: {  	_ =	shalt  }
0x4f: {  	_ =	shalt  }
0x50: {  	_ =	shalt  }
0x51: {  	_ =	shalt  }
0x52: {  	_ =	shalt  }
0x53: {  	_ =	shalt  }
0x54: {  	_ =	shalt  }
0x55: {  	_ =	shalt  }
0x56: {  	_ =	shalt  }
0x57: {  	_ =	shalt  }
0x58: {  	_ =	shalt  }
0x59: {  	_ =	shalt  }
0x5a: {  	_ =	shalt  }
0x5b: {  	_ =	shalt  }
0x5c: {  	_ =	shalt  }
0x5d: {  	_ =	shalt  }
0x5e: {  	_ =	shalt  }
0x5f: {  	_ =	shalt  }
0x60: {  	_ =	shalt  }
0x61: {  	_ =	shalt  }
0x62: {  	_ =	shalt  }
0x63: {  	_ =	shalt  }
0x64: {  	_ =	shalt  }
0x65: {  	_ =	shalt  }
0x66: {  	_ =	shalt  }
0x67: {  	_ =	shalt  }
0x68: {  	_ =	shalt  }
0x69: {  	_ =	shalt  }
0x6a: {  	_ =	shalt  }
0x6b: {  	_ =	shalt  }
0x6c: {  	_ =	shalt  }
0x6d: {  	_ =	shalt  }
0x6e: {  	_ =	shalt  }
0x6f: {  	_ =	shalt  }
0x70: {  	_ =	shalt  }
0x71: {  	_ =	shalt  }
0x72: {  	_ =	shalt  }
0x73: {  	_ =	shalt  }
0x74: {  	_ =	shalt  }
0x75: {  	_ =	shalt  }
0x76: {  	_ =	shalt  }
0x77: {  	_ =	shalt  }
0x78: {  	_ =	shalt  }
0x79: {  	_ =	shalt  }
0x7a: {  	_ =	shalt  }
0x7b: {  	_ =	shalt  }
0x7c: {  	_ =	shalt  }
0x7d: {  	_ =	shalt  }
0x7e: {  	_ =	shalt  }
0x7f: {  	_ =	shalt  }
0x80: {  	_ =	shalt  }
0x81: {  	_ =	shalt  }
0x82: {  	_ =	shalt  }
0x83: {  	_ =	shalt  }
0x84: {  	_ =	shalt  }
0x85: {  	_ =	shalt  }
0x86: {  	_ =	shalt  }
0x87: {  	_ =	shalt  }
.Lfunc_end0:
.L_simem_size_0:
called_computation_lowered:
.L_overlay_start_0:
0x88: {  	s2 =	sld [smem:$0x3FD9]  }
0x89: {  	s3 =	sld [smem:$0x3FFE];
	_ =	sdelay $0x1  }
0x8a: {  	s1 =	srdreg.scid  }
0x8b: {  	s0 =	sand.u32 $0x1, s1  }
0x8c: {  	s14 =	sshll.u32 s0, $0xA;
	s2 =	sadd.s32 s3, s2  }
0x8d: {  	s2 =	sadd.s32 s2, s14  }
0x8e: {  	[smem:$0x3FC4] =	sst s2  }
0x8f: {  	_ = 	snop  }
0x90: {  	s2 =	sld [smem:$0x3FD0];
	_ =	sdelay $0x2  }
0x91: {  	s15 =	simm.s32 $0xA;
	s4 =	simm.s32 $0x10  }
0x92: {  	[smem:s4], [sflag:s15] =	dma.local [hbm:s2], $0x1  }
0x93: {  	_ =	swait.eq [sflag:s15], $0x1  }
0x94: {  	[sflag:s15] =	ssyncset.done $0x0  }
0x95: {  	s16 =	sld [smem:$0x10];
	[sflag:s15] =	ssyncadd.s32 $0xFFFFFFFF  }
0x96: {  	s17 =	sld [smem:$0x11];
	(tm) =	ssettm $0x1  }
0x97: {  	s18 =	sld [smem:$0x3FFB];
	_ =	sdelay $0x3  }
0x98: {  	_ =	strace s18  }
0x99: {  	s4 =	sld [smem:$0x3FFC];
	_ =	sdelay $0x3  }
0x9a: {  	_ =	strace s4  }
0x9b: {  	s4 =	sld [smem:$0x3FFD];
	_ =	sdelay $0x3  }
0x9c: {  	_ =	strace s4  }
0x9d: {  	_ =	strace $0x8FFFFFFF  }
0x9e: {  	s19 =	sld [smem:$0x3FDB];
	_ =	sdelay $0x1  }
0x9f: {  	s5 =	simm.s32 $_scs_section_size  }
0xa0: {  	s6 =	simm.s32 $_size__tile_overlayer_lowered;
	s7 =	simm.s32 $_tile_overlayer_lowered  }
0xa1: {  	s22 =	simm.s32 $0x1BFF;
	s21 =	sshll.u32 s7, $0x1;
	s4 =	sadd.s32 s5, s19  }
0xa2: {  	s8 =	simm.s32 $0x0;
	s20 =	sshll.u32 s6, $0x1;
	s6 =	sadd.s32 s21, s4  }
0xa3: {  	[timem:s8], [sflag:s22] =	dma.local [hbm:s6], s20  }
0xa4: {  	_ =	swait.ge [sflag:s22], s20  }
0xa5: {  	s5 =	ssub.s32 $0x0, s20;
	[sflag:s22] =	ssyncset.done $0x0  }
0xa6: {  	[sflag:s22] =	ssyncadd.s32 s5;
	_ =	sdelay $0x1  }
0xa7: {  	s23 =	simm.s32 $0x1B8B  }
0xa8: {  	_ =	swait.ge [sflag:s23], $0x1  }
0xa9: {  	[sflag:s23] =	ssyncset.done $0x0  }
0xaa: {  	s25 =	simm.s32 $0x1B8E;
	s24 =	sld [smem:$0x3FFE];
	[sflag:s23] =	ssyncadd.s32 $0xFFFFFFFF  }
0xab: {  	s26 =	simm.s32 $execute0_lowered;
	[smem:$0x3FD2] =	sst s25  }
0xac: {  	s6 =	sshll.u32 s26, $0x1;
	_ =	strace $0x80000046;
	[dreg:$0x1] =	wrdreg $0xFFFFFFFF  }
0xad: {  	s28 =	simm.s32 $_size_execute0_lowered;
	s4 =	sadd.s32 s4, s6;
	[dreg:$0x0] =	wrdreg $0x0  }
0xae: {  	s6 =	sshll.u32 s28, $0x1;
	[dreg:$0x2] =	wrdreg s4  }
0xaf: {  	[dreg:$0x3] =	wrdreg s6  }
0xb0: {  	[dreg:$0x4] =	wrdreg $0xC0  }
0xb1: {  	_ =	task [dreg:s8], $0x5FFFF  }
0xb2: {  	[dreg:$0x1] =	wrdreg $0xFFFFFFFF  }
0xb3: {  	[dreg:$0x0] =	wrdreg $0x60  }
0xb4: {  	[dreg:$0x2] =	wrdreg s17  }
0xb5: {  	[dreg:$0x3] =	wrdreg s24  }
0xb6: {  	[dreg:$0x4] =	wrdreg s16  }
0xb7: {  	[dreg:$0x5] =	wrdreg $0x9  }
0xb8: {  	_ =	task.clear_ibuf [dreg:s8], $0x6FFFF;
	_ =	strace $0x90000046  }
0xb9: {  	s29 =	simm.s32 $0x9;
	_ =	strace $0x80000048  }
0xba: {  	_ =	swait.ge [sflag:s29], $0x1  }
0xbb: {  	[sflag:s29] =	ssyncadd.s32 $0xFFFFFFFF  }
0xbc: {  	_ =	strace $0x90000048  }
0xbd: {  	_ =	sfence  }
0xbe: {  	s30 =	sld [smem:$0x0];
	_ =	sdelay $0x2  }
0xbf: {  	s31 =	sshll.u32 s1, $0xD;
	s1 =	sshrl.u32 s1, $0x2  }
0xc0: {  	s3 =	sand.u32 $0x4000, s31;
	s1 =	sadd.s32 s1, s30  }
0xc1: {  	s0 =	sor.u32 s3, s0;
	s1 =	sshll.u32 s1, $0x11  }
0xc2: {  	s0 =	sor.u32 s1, s0  }
0xc3: {  	s0 =	sadd.s32 $0x8F2B, s0  }
0xc4: {  	[sflag:s0] =	ssyncadd.remote.s32 $0x1  }
0xc5: {  	_ =	sfence.sel $0xFFFF  }
0xc6: {  	[dreg:$0x0] =	wrdreg $0xFFFFFFFF;
	(pc) =	sbr.abs _section_cstart, $3  }
0xc7: {  	[dreg:$0x1] =	wrdreg $0xFFFFFFFF  }
0xc8: {  	_ =	task.clear_ibuf [dreg:s8], $0x2FFFF;
	_ =	strace $0x9FFFFFFF  }
0xc9: {  	(tm) =	ssettm $0x7FFFFFFF  }
tec
execute0_lowered:
.L_overlay_start_1:
0x0: {  	(tag) =	ssettag $0x1  }
0x1: {  	s2 =	rddreg [dreg:$0x0]  }
0x2: {  	s4 =	rddreg [dreg:$0x1]  }
0x3: {  	s12 =	rddreg [dreg:$0x2]  }
0x4: {  	s0 =	rddreg [dreg:$0x3]  }
0x5: {  	s5 =	srdreg.scid;
	s1 =	stileid.u32  }
0x6: {  	s3 =	simm.s32 $0x0;
	s13 =	sand.u32 $0x1, s5;
	s30 =	sshll.u32 s1, $0x1  }
0x7: {  	[smem:$0x7FF] =	sst s3;
	s11 =	sor.u32 s13, s30  }
0x8: {  	s6 =	sadd.s32 $0x1000, s4;
	s5 =	simm.s32 $0x2;
	s31 =	sshll.u32 s11, $0x4  }
0x9: {  	_ =	strace $0x80000047;
	s7 =	sshll.u32 s11, $0x7;
	s4 =	sadd.s32 s6, s31  }
0xa: {  	[tilespmem:s3], [sflag:$0x2] =	stream.linear.gather [hbm4b:s4+s3], $0x80, $0x38;
	[tilespmem:$0x4100] =	vst v63  }
0xb: {  	s14 =	sor.u32 $0x1000, s7;
	_ =	swait.ge [sflag:s5], $0x80  }
0xc: {  	s7 =	sshrl.u32 s14, $0x3;
	[sflag:s5] =	ssyncset.done $0x0  }
0xd: {  	s6 =	sadd.s32 s6, s7;
	s7 =	simm.s32 $0x80;
	[sflag:s5] =	ssyncadd.s32 $0xFFFFFF80  }
0xe: {  	[tilespmem:s7], [sflag:$0x2] =	stream.linear.gather [hbm4b:s6+s3], $0x80, $0x38;
	[tilespmem:$0x4100] =	vst v63  }
0xf: {  	_ =	swait.ge [sflag:s5], $0x80  }
0x10: {  	[sflag:s5] =	ssyncset.done $0x0  }
0x11: {  	s8 =	simm.s32 $0x100;
	[sflag:s5] =	ssyncadd.s32 $0xFFFFFF80  }
0x12: {  	[tilespmem:s8], [sflag:$0x1] =	stream.indirect.gather [hbm4b:s2+s7], $0x40, s3, s7, $0xb8;
	[tilespmem:$0x4100] =	vst v63  }
0x13: {  	s9 =	simm.s32 $0x2100;
	s10 =	simm.s32 $0x1  }
0x14: {  	[tilespmem:s9], [sflag:$0x1] =	stream.indirect.gather [hbm4b:s2+s7], $0x40, s7, s7, $0xb8;
	[tilespmem:$0x4100] =	vst v63  }
0x15: {  	_ =	swait.ge [sflag:s10], $0x2000  }
0x16: {  	s11 =	sshll.u32 s11, $0xA;
	[sflag:s10] =	ssyncset.done $0x0  }
0x17: {  	s13 =	ssub.s32 $0x2, s13;
	s11 =	sadd.s32 s12, s11;
	[sflag:s10] =	ssyncadd.s32 $0xFFFFE000  }
0x18: {  	[hbm4b:s11+s3] =	stream.linear.scatter [tilespmem:s8], [sflag:$0x2], $0x2000, $0x38;
	[tilespmem:$0x4100] =	vst v63  }
0x19: {  	s15 =	sshrl.u32 s13, $0x1;
	_ =	swait.ge [sflag:s5], $0x2000  }
0x1a: {  	s13 =	ssub.s32 s13, s15;
	[sflag:s5] =	ssyncset.done $0x0  }
0x1b: {  	s13 =	smax.u32 s13, $0x1;
	[sflag:s5] =	ssyncadd.s32 $0xFFFFE000  }
0x1c: {  	p0 =	sne.s32 s13, $0x1;
	_ =	swait.ge [sflag:s10], $0x2000  }
.Ltmp0:
0x1d: {  	s14 =	sshll.u32 s14, $0x3;
	[sflag:s10] =	ssyncset.done $0x0;
	(pc) =	sbr.rel @!p0 .LBB2_2-.Ltmp0, $4  }
0x1e: {  	s12 =	sadd.s32 s12, s14;
	[sflag:s10] =	ssyncadd.s32 $0xFFFFE000  }
0x1f: {  	[hbm4b:s12+s3] =	stream.linear.scatter [tilespmem:s9], [sflag:$0x2], $0x2000, $0x38;
	[tilespmem:$0x4100] =	vst v63  }
0x20: {  	_ =	swait.ge [sflag:s5], $0x2000  }
0x21: {  	s13 =	sadd.s32 $0xFFFFFFFF, s13;
	[sflag:s5] =	ssyncset.done $0x0  }
.LBB2_1:
0x22: {  	p0 =	sne.s32 s13, $0x1;
	s13 =	sadd.s32 $0xFFFFFFFF, s13;
	[sflag:s5] =	ssyncadd.s32 $0xFFFFE000  }
0x23: {  	[tilespmem:s3], [sflag:$0x2] =	stream.linear.gather [hbm4b:s4+s3], $0x80, $0x38;
	[tilespmem:$0x4100] =	vst v63  }
0x24: {  	_ =	swait.ge [sflag:s5], $0x80  }
0x25: {  	[sflag:s5] =	ssyncset.done $0x0  }
0x26: {  	[sflag:s5] =	ssyncadd.s32 $0xFFFFFF80  }
0x27: {  	[tilespmem:s7], [sflag:$0x2] =	stream.linear.gather [hbm4b:s6+s3], $0x80, $0x38;
	[tilespmem:$0x4100] =	vst v63  }
0x28: {  	_ =	swait.ge [sflag:s5], $0x80  }
0x29: {  	[sflag:s5] =	ssyncset.done $0x0  }
0x2a: {  	[sflag:s5] =	ssyncadd.s32 $0xFFFFFF80  }
0x2b: {  	[tilespmem:s8], [sflag:$0x1] =	stream.indirect.gather [hbm4b:s2+s7], $0x40, s3, s7, $0xb8;
	[tilespmem:$0x4100] =	vst v63  }
0x2c: {  	_ = 	snop  }
0x2d: {  	[tilespmem:s9], [sflag:$0x1] =	stream.indirect.gather [hbm4b:s2+s7], $0x40, s7, s7, $0xb8;
	[tilespmem:$0x4100] =	vst v63  }
0x2e: {  	_ =	swait.ge [sflag:s10], $0x2000  }
0x2f: {  	[sflag:s10] =	ssyncset.done $0x0  }
0x30: {  	[sflag:s10] =	ssyncadd.s32 $0xFFFFE000  }
0x31: {  	[hbm4b:s11+s3] =	stream.linear.scatter [tilespmem:s8], [sflag:$0x2], $0x2000, $0x38;
	[tilespmem:$0x4100] =	vst v63  }
0x32: {  	_ =	swait.ge [sflag:s5], $0x2000  }
0x33: {  	[sflag:s5] =	ssyncset.done $0x0  }
0x34: {  	[sflag:s5] =	ssyncadd.s32 $0xFFFFE000  }
0x35: {  	_ =	swait.ge [sflag:s10], $0x2000  }
.Ltmp1:
0x36: {  	[sflag:s10] =	ssyncset.done $0x0;
	(pc) =	sbr.rel @p0 .LBB2_1-.Ltmp1, $4  }
0x37: {  	[sflag:s10] =	ssyncadd.s32 $0xFFFFE000  }
0x38: {  	[hbm4b:s12+s3] =	stream.linear.scatter [tilespmem:s9], [sflag:$0x2], $0x2000, $0x38;
	[tilespmem:$0x4100] =	vst v63  }
0x39: {  	_ =	swait.ge [sflag:s5], $0x2000  }
0x3a: {  	[sflag:s5] =	ssyncset.done $0x0  }
.LBB2_2:
0x3b: {  	[sflag:s5] =	ssyncadd.s32 $0xFFFFE000  }
0x3c: {  	_ =	sfence.sel $0x180000  }
0x3d: {  	[bflag:$0x0] =	sbarrier.arrive $0xFFFF  }
0x3e: {  	p0 =	sne.s32 s1, $0x0;
	_ =	strace $0x90000047  }
0x3f: {  	s0 =	sadd.s32 @!p0 $0x100000, s0;
	[bflag:$0x2] =	sbarrier.arrive $0xFFFF  }
0x40: {  	[sflag:s0] =	ssyncadd.tile.s32 @!p0 $0x1;
	_ =	shalt  }
.Lfunc_end2:
_tile_overlayer_lowered:
.L_overlay_start_2:
0x41: {  	(tag) =	ssettag $0x2  }
0x42: {  	s0 =	rddreg [dreg:$0x0];
	s2 =	stileid.u32  }
0x43: {  	s1 =	rddreg [dreg:$0x1];
	p0 =	sne.s32 s2, $0x0  }
0x44: {  	s3 =	rddreg [dreg:$0x2];
	[bflag:$0x3] =	sbarrier.arrive $0xFFFF;
	s2 =	simm.s32 @!p0 $0x1C02  }
0x45: {  	[timem:s3], [sflag:s2] =	dma.local @!p0 [hbm:s0], s1  }
0x46: {  	s0 =	simm.s32 @!p0 $0x2  }
0x47: {  	_ =	swait.ge @!p0 [sflag:s0], s1  }
0x48: {  	s1 =	ssub.s32 @!p0 $0x0, s1;
	[sflag:s0] =	ssyncset.done @!p0 $0x0  }
0x49: {  	[sflag:s0] =	ssyncadd.s32 @!p0 s1  }
0x4a: {  	[bflag:$0x3] =	sbarrier.arrive $0xFFFF  }
0x4b: {  	_ =	shalt  }

</sc_bundles>
